<compile_context>
chip_gen: v7x
topology: tpu7x:2x2x1
jax: 0.10.2.dev20260603
libtpu: 0.0.44.dev20260713+nightly
codegen_flags: <defaults>
</compile_context>

<pallas_src>
import functools

import jax
import jax.numpy as jnp
from jax import lax
from jax.experimental import pallas as pl
from jax.experimental.pallas import tpu as pltpu
from jax.experimental.pallas import tpu_sc as plsc

EPS = 1e-5
MAX_TANH_ARG = 15.0
PROJ_EPS = 1e-5

N_NODES = 10000
N_EDGES = 320000
D = 128

NC = 2
NS = 16
NW = NC * NS
N_PAD = 10112
ROWS_PER_TILE = N_PAD // NS
CH = 64
PER_W = 160
NBUF = 2
E_W = PER_W * CH
NCHUNK = NW * PER_W
E_PAD = NCHUNK * CH


def _logmap_body(feat_ref, out_ref):
    y = feat_ref[...]
    norm = jnp.sqrt(jnp.sum(y * y, axis=-1, keepdims=True))
    nc = jnp.clip(norm, EPS, 1.0 - EPS)
    atanh = 0.5 * jnp.log((1.0 + nc) / (1.0 - nc))
    out_ref[...] = atanh * y / jnp.maximum(norm, EPS)


def _log_map_zero_rows(feat):
    rows = 1000
    return pl.pallas_call(
        _logmap_body,
        grid=(N_NODES // rows,),
        in_specs=[pl.BlockSpec((rows, D), lambda i: (i, 0))],
        out_specs=pl.BlockSpec((rows, D), lambda i: (i, 0)),
        out_shape=jax.ShapeDtypeStruct((N_NODES, D), jnp.float32),
    )(feat)


def _sc_body(logw_hbm, src_hbm, dst_hbm, ones_hbm, zacc_hbm, zdeg_hbm,
             acc_out, deg_out,
             acc_sh, deg_sh, src_all, dst_all, r0, r1, ones_v,
             sg0, sg1):
    rows = (r0, r1)
    sgs = (sg0, sg1)

    c = lax.axis_index("c")
    s = lax.axis_index("s")
    wid = s * NC + c

    @pl.when(s == 0)
    def _():
        pltpu.sync_copy(zacc_hbm, acc_sh)
        pltpu.sync_copy(zdeg_hbm, deg_sh)
    pltpu.sync_copy(ones_hbm, ones_v)
    pltpu.sync_copy(src_hbm.at[pl.ds(wid * E_W, E_W)], src_all)
    pltpu.sync_copy(dst_hbm.at[pl.ds(wid * PER_W, PER_W)], dst_all)
    plsc.subcore_barrier()

    def start_gather(j, b):
        jc = jnp.minimum(j, PER_W - 1)
        pltpu.async_copy(logw_hbm.at[src_all.at[pl.ds(jc * CH, CH)]],
                         rows[b], sgs[b])

    def wait_gather(b):
        pltpu.make_async_copy(logw_hbm.at[src_all.at[pl.ds(0, CH)]],
                              rows[b], sgs[b]).wait()

    for b in range(NBUF):
        start_gather(b, b)

    def ring(m, carry):
        for b in range(NBUF):
            j = m * NBUF + b
            wait_gather(b)
            pltpu.sync_copy(rows[b], acc_sh.at[dst_all.at[j]], add=True)
            pltpu.sync_copy(ones_v, deg_sh.at[dst_all.at[j]], add=True)
            start_gather(j + NBUF, b)
        return carry

    lax.fori_loop(0, PER_W // NBUF, ring, 0)
    for b in range(NBUF):
        wait_gather(b)

    plsc.subcore_barrier()

    @pl.when(s == 0)
    def _():
        pltpu.sync_copy(acc_sh, acc_out.at[pl.ds(c * N_PAD, N_PAD)])
        pltpu.sync_copy(deg_sh, deg_out.at[pl.ds(c * N_PAD, N_PAD)])


_sc_scatter = functools.partial(
    pl.kernel,
    out_type=[jax.ShapeDtypeStruct((NC * N_PAD, D), jnp.float32),
              jax.ShapeDtypeStruct((NC * N_PAD,), jnp.float32)],
    mesh=plsc.VectorSubcoreMesh(core_axis_name="c", subcore_axis_name="s"),
    scratch_types=[
        pltpu.VMEM_SHARED((N_PAD, D), jnp.float32),
        pltpu.VMEM_SHARED((N_PAD,), jnp.float32),
        pltpu.VMEM((E_W,), jnp.int32),
        pltpu.VMEM((PER_W, CH), jnp.int32),
        pltpu.VMEM((CH, D), jnp.float32),
        pltpu.VMEM((CH, D), jnp.float32),
        pltpu.VMEM((CH,), jnp.float32),
        pltpu.SemaphoreType.DMA,
        pltpu.SemaphoreType.DMA,
    ],
)(_sc_body)


def _combine_body(acc_ref, deg_ref, out_ref):
    ssum = acc_ref[0] + acc_ref[1]
    deg = deg_ref[0] + deg_ref[1]
    mean = ssum / jnp.maximum(deg, 1.0)
    norm = jnp.sqrt(jnp.sum(mean * mean, axis=-1, keepdims=True))
    norm_c = jnp.maximum(norm, EPS)
    out = jnp.tanh(jnp.clip(norm_c, -MAX_TANH_ARG, MAX_TANH_ARG)) * mean / norm_c
    out_norm = jnp.sqrt(jnp.sum(out * out, axis=-1, keepdims=True))
    scale = jnp.minimum(jnp.ones_like(out_norm),
                        (1.0 - PROJ_EPS) / jnp.maximum(out_norm, EPS))
    out_ref[...] = out * scale


def _combine(acc2, deg2):
    rows = 1000
    return pl.pallas_call(
        _combine_body,
        grid=(N_NODES // rows,),
        in_specs=[pl.BlockSpec((NC, rows, D), lambda i: (0, i, 0)),
                  pl.BlockSpec((NC, rows, 1), lambda i: (0, i, 0))],
        out_specs=pl.BlockSpec((rows, D), lambda i: (i, 0)),
        out_shape=jax.ShapeDtypeStruct((N_NODES, D), jnp.float32),
    )(acc2, deg2)


def kernel(feat, edge_index):
    pad = E_PAD - N_EDGES
    src = jnp.concatenate([edge_index[0], jnp.zeros((pad,), jnp.int32)])
    dst = jnp.concatenate([edge_index[1], jnp.full((pad,), N_NODES, jnp.int32)])
    dst = dst.reshape(NCHUNK, CH)
    logw = _log_map_zero_rows(feat)
    ones = jnp.ones((CH,), jnp.float32)
    zacc = jnp.zeros((N_PAD, D), jnp.float32)
    zdeg = jnp.zeros((N_PAD,), jnp.float32)
    acc2, deg2 = _sc_scatter(logw, src, dst, ones, zacc, zdeg)
    acc2 = acc2.reshape(NC, N_PAD, D)
    deg2 = deg2.reshape(NC, N_PAD, 1)
    return _combine(acc2, deg2)

# --- scband reference (transcript-rebuilt; emitter-appended) ---
"""Pipeline reference for scband-hatlayer-90177133346940 (READ-ONLY COPY).

The authoritative reference and input builder live on the scoring server;
editing this copy changes nothing except your own understanding.
"""

import jax, jax.numpy as jnp
import numpy as np

EPS = 1e-5
MAX_TANH_ARG = 15.0
PROJ_EPS = 1e-5

N_NODES = 10000
N_EDGES = 320000
D_FEAT = 128


def log_map_zero(y):
    # PoincareManifold.log_map_zero: atanh(||y||) * y / ||y|| with norm clamping
    norm = jnp.linalg.norm(y, axis=-1, keepdims=True)
    norm_c = jnp.clip(norm, EPS, 1.0 - EPS)
    return jnp.arctanh(norm_c) * y / jnp.maximum(norm, EPS)


def exp_map_zero(v):
    # PoincareManifold.exp_map_zero: tanh(||v||) * v / ||v||, projected into unit ball
    norm = jnp.linalg.norm(v, axis=-1, keepdims=True)
    norm_c = jnp.maximum(norm, EPS)
    out = jnp.tanh(jnp.clip(norm_c, -MAX_TANH_ARG, MAX_TANH_ARG)) * v / norm_c
    out_norm = jnp.linalg.norm(out, axis=-1, keepdims=True)
    scale = jnp.minimum(jnp.ones_like(out_norm), (1.0 - PROJ_EPS) / jnp.maximum(out_norm, EPS))
    return out * scale


def setup_inputs(seed: int = 0) -> dict:
    key = jax.random.key(seed)
    k1, k2 = jax.random.split(key)
    feat = jax.random.normal(k1, (N_NODES, D_FEAT), dtype=jnp.float32)
    edge_index = jax.random.randint(k2, (2, N_EDGES), 0, N_NODES, dtype=jnp.int32)
    return {"feat": feat, "edge_index": edge_index}


def reference(feat, edge_index):
    # dropout p=0.0 -> identity; graph is not a block so feat_dst == feat_src
    src = edge_index[0]
    dst = edge_index[1]
    # message_func: z = feat[src] gathered per edge
    z = jnp.take(feat, src, axis=0)
    # reduce_func: h = exp_map_zero(mean_over_mailbox(log_map_zero(z)))
    logz = log_map_zero(z)
    seg_sum = jax.ops.segment_sum(logz, dst, num_segments=N_NODES)
    deg = jax.ops.segment_sum(jnp.ones((N_EDGES,), dtype=feat.dtype), dst, num_segments=N_NODES)
    mean = seg_sum / jnp.maximum(deg, 1.0)[:, None]
    h = exp_map_zero(mean)
    return h

if __name__ == "__main__":
    import jax
    _d = setup_inputs()
    print(jax.jit(kernel)(*tuple(_d.values())))

</pallas_src>

<mosaic_0001>
#map = affine_map<(d0, d1) -> (0, 0)>
#map1 = affine_map<(d0, d1) -> (0)>
module attributes {stable_mosaic.version = 14 : i64} {
  func.func @_sc_body(%arg0: i32, %arg1: i32, %arg2: memref<10000x128xf32, #tpu.memory_space<hbm>>, %arg3: memref<327680xi32, #tpu.memory_space<hbm>>, %arg4: memref<5120x64xi32, #tpu.memory_space<hbm>>, %arg5: memref<64xf32, #tpu.memory_space<hbm>>, %arg6: memref<10112x128xf32, #tpu.memory_space<hbm>>, %arg7: memref<10112xf32, #tpu.memory_space<hbm>>, %arg8: memref<20224x128xf32, #tpu.memory_space<hbm>>, %arg9: memref<20224xf32, #tpu.memory_space<hbm>>, %arg10: memref<10112x128xf32, #tpu.memory_space<vmem_shared>>, %arg11: memref<10112xf32, #tpu.memory_space<vmem_shared>>, %arg12: memref<10240xi32, #tpu.memory_space<vmem>>, %arg13: memref<160x64xi32, #tpu.memory_space<vmem>>, %arg14: memref<64x128xf32, #tpu.memory_space<vmem>>, %arg15: memref<64x128xf32, #tpu.memory_space<vmem>>, %arg16: memref<64xf32, #tpu.memory_space<vmem>>, %arg17: memref<!tpu.dma_semaphore, #tpu.memory_space<semaphore_mem>>, %arg18: memref<!tpu.dma_semaphore, #tpu.memory_space<semaphore_mem>>) attributes {dimension_semantics = [#tpu.dimension_semantics<core_parallel>, #tpu.dimension_semantics<subcore_parallel>], iteration_bounds = array<i64: 2, 16>, scalar_prefetch = 0 : i64, scratch_operands = 9 : i64, tpu.core_type = #tpu.core_type<sc_vector_subcore>, window_params = [{transform_indices = #map}, {transform_indices = #map1}, {transform_indices = #map}, {transform_indices = #map1}, {transform_indices = #map}, {transform_indices = #map1}, {transform_indices = #map}, {transform_indices = #map1}]} {
    %mul3A = arith.constant 2 : i32
    %mul3A_0 = arith.muli %arg1, %mul3A : i32
    %add3A = arith.addi %mul3A_0, %arg0 : i32
    %eq3A = arith.constant 0 : i32
    %eq3A_1 = arith.cmpi eq, %arg1, %eq3A : i32
    %convert_element_type3A = arith.extui %eq3A_1 : i1 to i32
    %cond3A = arith.constant 0 : i32
    %cond3A_2 = arith.cmpi ne, %convert_element_type3A, %cond3A : i32
    scf.if %cond3A_2 {
      "tpu.region"() ({
        %run_scoped3A = tpu.sem_alloc : memref<!tpu.dma_semaphore, #tpu.memory_space<semaphore_mem>>
        tpu.enqueue_dma source(%arg6 : memref<10112x128xf32, #tpu.memory_space<hbm>>) target(%arg10 : memref<10112x128xf32, #tpu.memory_space<vmem_shared>>) target_semaphore(%run_scoped3A : memref<!tpu.dma_semaphore, #tpu.memory_space<semaphore_mem>>)
        tpu.wait_dma2 semaphore(%run_scoped3A : memref<!tpu.dma_semaphore, #tpu.memory_space<semaphore_mem>>) src(%arg6 : memref<10112x128xf32, #tpu.memory_space<hbm>>) dst(%arg10 : memref<10112x128xf32, #tpu.memory_space<vmem_shared>>)
        tpu.yield
      }) : () -> ()
      "tpu.region"() ({
        %run_scoped3A = tpu.sem_alloc : memref<!tpu.dma_semaphore, #tpu.memory_space<semaphore_mem>>
        tpu.enqueue_dma source(%arg7 : memref<10112xf32, #tpu.memory_space<hbm>>) target(%arg11 : memref<10112xf32, #tpu.memory_space<vmem_shared>>) target_semaphore(%run_scoped3A : memref<!tpu.dma_semaphore, #tpu.memory_space<semaphore_mem>>)
        tpu.wait_dma2 semaphore(%run_scoped3A : memref<!tpu.dma_semaphore, #tpu.memory_space<semaphore_mem>>) src(%arg7 : memref<10112xf32, #tpu.memory_space<hbm>>) dst(%arg11 : memref<10112xf32, #tpu.memory_space<vmem_shared>>)
        tpu.yield
      }) : () -> ()
    } else {
    }
    "tpu.region"() ({
      %run_scoped3A = tpu.sem_alloc : memref<!tpu.dma_semaphore, #tpu.memory_space<semaphore_mem>>
      tpu.enqueue_dma source(%arg5 : memref<64xf32, #tpu.memory_space<hbm>>) target(%arg16 : memref<64xf32, #tpu.memory_space<vmem>>) target_semaphore(%run_scoped3A : memref<!tpu.dma_semaphore, #tpu.memory_space<semaphore_mem>>)
      tpu.wait_dma2 semaphore(%run_scoped3A : memref<!tpu.dma_semaphore, #tpu.memory_space<semaphore_mem>>) src(%arg5 : memref<64xf32, #tpu.memory_space<hbm>>) dst(%arg16 : memref<64xf32, #tpu.memory_space<vmem>>)
      tpu.yield
    }) : () -> ()
    %mul3A_3 = arith.constant 10240 : i32
    %mul3A_4 = arith.muli %add3A, %mul3A_3 : i32
    "tpu.region"() ({
      %run_scoped3A = tpu.sem_alloc : memref<!tpu.dma_semaphore, #tpu.memory_space<semaphore_mem>>
      %dma_start3A_43 = tpu.memref_slice %arg3[%mul3A_4] : memref<327680xi32, #tpu.memory_space<hbm>> -> memref<10240xi32, #tpu.memory_space<hbm>>
      %dma_start3A_44 = tpu.memref_slice %arg3[%mul3A_4] : memref<327680xi32, #tpu.memory_space<hbm>> -> memref<10240xi32, #tpu.memory_space<hbm>>
      tpu.enqueue_dma source(%dma_start3A_44 : memref<10240xi32, #tpu.memory_space<hbm>>) target(%arg12 : memref<10240xi32, #tpu.memory_space<vmem>>) target_semaphore(%run_scoped3A : memref<!tpu.dma_semaphore, #tpu.memory_space<semaphore_mem>>)
      %dma_wait3A_45 = tpu.memref_slice %arg3[%mul3A_4] : memref<327680xi32, #tpu.memory_space<hbm>> -> memref<10240xi32, #tpu.memory_space<hbm>>
      %dma_wait3A_46 = tpu.memref_slice %arg3[%mul3A_4] : memref<327680xi32, #tpu.memory_space<hbm>> -> memref<10240xi32, #tpu.memory_space<hbm>>
      tpu.wait_dma2 semaphore(%run_scoped3A : memref<!tpu.dma_semaphore, #tpu.memory_space<semaphore_mem>>) src(%dma_wait3A_46 : memref<10240xi32, #tpu.memory_space<hbm>>) dst(%arg12 : memref<10240xi32, #tpu.memory_space<vmem>>)
      tpu.yield
    }) : () -> ()
    %mul3A_5 = arith.constant 160 : i32
    %mul3A_6 = arith.muli %add3A, %mul3A_5 : i32
    "tpu.region"() ({
      %run_scoped3A = tpu.sem_alloc : memref<!tpu.dma_semaphore, #tpu.memory_space<semaphore_mem>>
      %dma_start3A_43 = arith.constant 0 : i32
      %dma_start3A_44 = tpu.memref_slice %arg4[%mul3A_6, %dma_start3A_43] : memref<5120x64xi32, #tpu.memory_space<hbm>> -> memref<160x64xi32, #tpu.memory_space<hbm>>
      %dma_start3A_45 = arith.constant 0 : i32
      %dma_start3A_46 = tpu.memref_slice %arg4[%mul3A_6, %dma_start3A_45] : memref<5120x64xi32, #tpu.memory_space<hbm>> -> memref<160x64xi32, #tpu.memory_space<hbm>>
      tpu.enqueue_dma source(%dma_start3A_46 : memref<160x64xi32, #tpu.memory_space<hbm>>) target(%arg13 : memref<160x64xi32, #tpu.memory_space<vmem>>) target_semaphore(%run_scoped3A : memref<!tpu.dma_semaphore, #tpu.memory_space<semaphore_mem>>)
      %dma_wait3A_47 = arith.constant 0 : i32
      %dma_wait3A_48 = tpu.memref_slice %arg4[%mul3A_6, %dma_wait3A_47] : memref<5120x64xi32, #tpu.memory_space<hbm>> -> memref<160x64xi32, #tpu.memory_space<hbm>>
      %dma_wait3A_49 = arith.constant 0 : i32
      %dma_wait3A_50 = tpu.memref_slice %arg4[%mul3A_6, %dma_wait3A_49] : memref<5120x64xi32, #tpu.memory_space<hbm>> -> memref<160x64xi32, #tpu.memory_space<hbm>>
      tpu.wait_dma2 semaphore(%run_scoped3A : memref<!tpu.dma_semaphore, #tpu.memory_space<semaphore_mem>>) src(%dma_wait3A_50 : memref<160x64xi32, #tpu.memory_space<hbm>>) dst(%arg13 : memref<160x64xi32, #tpu.memory_space<vmem>>)
      tpu.yield
    }) : () -> ()
    %barrier3A = arith.constant 0 : index
    tpu.barrier barrier_id(%barrier3A)
    %min3A = arith.constant 0 : i32
    %min3A_7 = arith.constant 159 : i32
    %min3A_8 = arith.minsi %min3A, %min3A_7 : i32
    %mul3A_9 = arith.constant 64 : i32
    %mul3A_10 = arith.muli %min3A_8, %mul3A_9 : i32
    %dma_start3A = tpu.memref_slice %arg12[%mul3A_10] : memref<10240xi32, #tpu.memory_space<vmem>> -> memref<64xi32, #tpu.memory_space<vmem>>
    %dma_start3A_11 = arith.constant 0 : i32
    %dma_start3A_12 = arith.constant 0 : i32
    %dma_start3A_13 = tpu.memref_slice %arg2[%dma_start3A_11, %dma_start3A_12] : memref<10000x128xf32, #tpu.memory_space<hbm>> -> memref<10000x128xf32, #tpu.memory_space<hbm>>
    tpu.enqueue_indirect_dma source(%dma_start3A_13 : memref<10000x128xf32, #tpu.memory_space<hbm>>) target(%arg14 : memref<64x128xf32, #tpu.memory_space<vmem>>) offsets(%dma_start3A : memref<64xi32, #tpu.memory_space<vmem>>) semaphore(%arg17 : memref<!tpu.dma_semaphore, #tpu.memory_space<semaphore_mem>>)
    %min3A_14 = arith.constant 1 : i32
    %min3A_15 = arith.constant 159 : i32
    %min3A_16 = arith.minsi %min3A_14, %min3A_15 : i32
    %mul3A_17 = arith.constant 64 : i32
    %mul3A_18 = arith.muli %min3A_16, %mul3A_17 : i32
    %dma_start3A_19 = tpu.memref_slice %arg12[%mul3A_18] : memref<10240xi32, #tpu.memory_space<vmem>> -> memref<64xi32, #tpu.memory_space<vmem>>
    %dma_start3A_20 = arith.constant 0 : i32
    %dma_start3A_21 = arith.constant 0 : i32
    %dma_start3A_22 = tpu.memref_slice %arg2[%dma_start3A_20, %dma_start3A_21] : memref<10000x128xf32, #tpu.memory_space<hbm>> -> memref<10000x128xf32, #tpu.memory_space<hbm>>
    tpu.enqueue_indirect_dma source(%dma_start3A_22 : memref<10000x128xf32, #tpu.memory_space<hbm>>) target(%arg15 : memref<64x128xf32, #tpu.memory_space<vmem>>) offsets(%dma_start3A_19 : memref<64xi32, #tpu.memory_space<vmem>>) semaphore(%arg18 : memref<!tpu.dma_semaphore, #tpu.memory_space<semaphore_mem>>)
    %scan3A = arith.constant 0 : i32
    %scan3A_23 = arith.constant 0 : i32
    %scan3A_24 = arith.constant 80 : i32
    %scan3A_25 = arith.addi %scan3A_23, %scan3A_24 : i32
    %scan3A_26 = arith.constant 1 : i32
    scf.for %scan3A_43 = %scan3A_23 to %scan3A_25 step %scan3A_26  : i32 {
      %mul3A_44 = arith.constant 2 : i32
      %mul3A_45 = arith.muli %scan3A_43, %mul3A_44 : i32
      %add3A_46 = arith.constant 0 : i32
      %add3A_47 = arith.addi %mul3A_45, %add3A_46 : i32
      %dma_wait3A_48 = arith.constant 0 : i32
      %dma_wait3A_49 = tpu.memref_slice %arg12[%dma_wait3A_48] : memref<10240xi32, #tpu.memory_space<vmem>> -> memref<64xi32, #tpu.memory_space<vmem>>
      %dma_wait3A_50 = arith.constant 0 : i32
      %dma_wait3A_51 = arith.constant 0 : i32
      %dma_wait3A_52 = tpu.memref_slice %arg2[%dma_wait3A_50, %dma_wait3A_51] : memref<10000x128xf32, #tpu.memory_space<hbm>> -> memref<10000x128xf32, #tpu.memory_space<hbm>>
      tpu.wait_indirect_dma semaphore(%arg17 : memref<!tpu.dma_semaphore, #tpu.memory_space<semaphore_mem>>) src(%dma_wait3A_52 : memref<10000x128xf32, #tpu.memory_space<hbm>>) dst(%arg14 : memref<64x128xf32, #tpu.memory_space<vmem>>)
      "tpu.region"() ({
        %run_scoped3A = tpu.sem_alloc : memref<!tpu.dma_semaphore, #tpu.memory_space<semaphore_mem>>
        %dma_start3A_82 = arith.constant 0 : i32
        %dma_start3A_83 = tpu.memref_slice %arg13[%add3A_47, %dma_start3A_82] : memref<160x64xi32, #tpu.memory_space<vmem>> -> memref<1x64xi32, #tpu.memory_space<vmem>>
        %dma_start3A_84 = tpu.memref_squeeze %dma_start3A_83 : memref<1x64xi32, #tpu.memory_space<vmem>> -> memref<64xi32, #tpu.memory_space<vmem>>
        %dma_start3A_85 = arith.constant 0 : i32
        %dma_start3A_86 = arith.constant 0 : i32
        %dma_start3A_87 = tpu.memref_slice %arg10[%dma_start3A_85, %dma_start3A_86] : memref<10112x128xf32, #tpu.memory_space<vmem_shared>> -> memref<10112x128xf32, #tpu.memory_space<vmem_shared>>
        tpu.enqueue_indirect_dma source(%arg14 : memref<64x128xf32, #tpu.memory_space<vmem>>) target(%dma_start3A_87 : memref<10112x128xf32, #tpu.memory_space<vmem_shared>>) offsets(%dma_start3A_84 : memref<64xi32, #tpu.memory_space<vmem>>) semaphore(%run_scoped3A : memref<!tpu.dma_semaphore, #tpu.memory_space<semaphore_mem>>) {add = true}
        %dma_wait3A_88 = arith.constant 0 : i32
        %dma_wait3A_89 = tpu.memref_slice %arg13[%add3A_47, %dma_wait3A_88] : memref<160x64xi32, #tpu.memory_space<vmem>> -> memref<1x64xi32, #tpu.memory_space<vmem>>
        %dma_wait3A_90 = tpu.memref_squeeze %dma_wait3A_89 : memref<1x64xi32, #tpu.memory_space<vmem>> -> memref<64xi32, #tpu.memory_space<vmem>>
        %dma_wait3A_91 = arith.constant 0 : i32
        %dma_wait3A_92 = arith.constant 0 : i32
        %dma_wait3A_93 = tpu.memref_slice %arg10[%dma_wait3A_91, %dma_wait3A_92] : memref<10112x128xf32, #tpu.memory_space<vmem_shared>> -> memref<10112x128xf32, #tpu.memory_space<vmem_shared>>
        tpu.wait_indirect_dma semaphore(%run_scoped3A : memref<!tpu.dma_semaphore, #tpu.memory_space<semaphore_mem>>) src(%arg14 : memref<64x128xf32, #tpu.memory_space<vmem>>) dst(%dma_wait3A_93 : memref<10112x128xf32, #tpu.memory_space<vmem_shared>>)
        tpu.yield
      }) : () -> ()
      "tpu.region"() ({
        %run_scoped3A = tpu.sem_alloc : memref<!tpu.dma_semaphore, #tpu.memory_space<semaphore_mem>>
        %dma_start3A_82 = arith.constant 0 : i32
        %dma_start3A_83 = tpu.memref_slice %arg13[%add3A_47, %dma_start3A_82] : memref<160x64xi32, #tpu.memory_space<vmem>> -> memref<1x64xi32, #tpu.memory_space<vmem>>
        %dma_start3A_84 = tpu.memref_squeeze %dma_start3A_83 : memref<1x64xi32, #tpu.memory_space<vmem>> -> memref<64xi32, #tpu.memory_space<vmem>>
        %dma_start3A_85 = arith.constant 0 : i32
        %dma_start3A_86 = tpu.memref_slice %arg11[%dma_start3A_85] : memref<10112xf32, #tpu.memory_space<vmem_shared>> -> memref<10112xf32, #tpu.memory_space<vmem_shared>>
        tpu.enqueue_indirect_dma source(%arg16 : memref<64xf32, #tpu.memory_space<vmem>>) target(%dma_start3A_86 : memref<10112xf32, #tpu.memory_space<vmem_shared>>) offsets(%dma_start3A_84 : memref<64xi32, #tpu.memory_space<vmem>>) semaphore(%run_scoped3A : memref<!tpu.dma_semaphore, #tpu.memory_space<semaphore_mem>>) {add = true}
        %dma_wait3A_87 = arith.constant 0 : i32
        %dma_wait3A_88 = tpu.memref_slice %arg13[%add3A_47, %dma_wait3A_87] : memref<160x64xi32, #tpu.memory_space<vmem>> -> memref<1x64xi32, #tpu.memory_space<vmem>>
        %dma_wait3A_89 = tpu.memref_squeeze %dma_wait3A_88 : memref<1x64xi32, #tpu.memory_space<vmem>> -> memref<64xi32, #tpu.memory_space<vmem>>
        %dma_wait3A_90 = arith.constant 0 : i32
        %dma_wait3A_91 = tpu.memref_slice %arg11[%dma_wait3A_90] : memref<10112xf32, #tpu.memory_space<vmem_shared>> -> memref<10112xf32, #tpu.memory_space<vmem_shared>>
        tpu.wait_indirect_dma semaphore(%run_scoped3A : memref<!tpu.dma_semaphore, #tpu.memory_space<semaphore_mem>>) src(%arg16 : memref<64xf32, #tpu.memory_space<vmem>>) dst(%dma_wait3A_91 : memref<10112xf32, #tpu.memory_space<vmem_shared>>)
        tpu.yield
      }) : () -> ()
      %add3A_53 = arith.constant 2 : i32
      %add3A_54 = arith.addi %add3A_47, %add3A_53 : i32
      %min3A_55 = arith.constant 159 : i32
      %min3A_56 = arith.minsi %add3A_54, %min3A_55 : i32
      %mul3A_57 = arith.constant 64 : i32
      %mul3A_58 = arith.muli %min3A_56, %mul3A_57 : i32
      %dma_start3A_59 = tpu.memref_slice %arg12[%mul3A_58] : memref<10240xi32, #tpu.memory_space<vmem>> -> memref<64xi32, #tpu.memory_space<vmem>>
      %dma_start3A_60 = arith.constant 0 : i32
      %dma_start3A_61 = arith.constant 0 : i32
      %dma_start3A_62 = tpu.memref_slice %arg2[%dma_start3A_60, %dma_start3A_61] : memref<10000x128xf32, #tpu.memory_space<hbm>> -> memref<10000x128xf32, #tpu.memory_space<hbm>>
      tpu.enqueue_indirect_dma source(%dma_start3A_62 : memref<10000x128xf32, #tpu.memory_space<hbm>>) target(%arg14 : memref<64x128xf32, #tpu.memory_space<vmem>>) offsets(%dma_start3A_59 : memref<64xi32, #tpu.memory_space<vmem>>) semaphore(%arg17 : memref<!tpu.dma_semaphore, #tpu.memory_space<semaphore_mem>>)
      %mul3A_63 = arith.constant 2 : i32
      %mul3A_64 = arith.muli %scan3A_43, %mul3A_63 : i32
      %add3A_65 = arith.constant 1 : i32
      %add3A_66 = arith.addi %mul3A_64, %add3A_65 : i32
      %dma_wait3A_67 = arith.constant 0 : i32
      %dma_wait3A_68 = tpu.memref_slice %arg12[%dma_wait3A_67] : memref<10240xi32, #tpu.memory_space<vmem>> -> memref<64xi32, #tpu.memory_space<vmem>>
      %dma_wait3A_69 = arith.constant 0 : i32
      %dma_wait3A_70 = arith.constant 0 : i32
      %dma_wait3A_71 = tpu.memref_slice %arg2[%dma_wait3A_69, %dma_wait3A_70] : memref<10000x128xf32, #tpu.memory_space<hbm>> -> memref<10000x128xf32, #tpu.memory_space<hbm>>
      tpu.wait_indirect_dma semaphore(%arg18 : memref<!tpu.dma_semaphore, #tpu.memory_space<semaphore_mem>>) src(%dma_wait3A_71 : memref<10000x128xf32, #tpu.memory_space<hbm>>) dst(%arg15 : memref<64x128xf32, #tpu.memory_space<vmem>>)
      "tpu.region"() ({
        %run_scoped3A = tpu.sem_alloc : memref<!tpu.dma_semaphore, #tpu.memory_space<semaphore_mem>>
        %dma_start3A_82 = arith.constant 0 : i32
        %dma_start3A_83 = tpu.memref_slice %arg13[%add3A_66, %dma_start3A_82] : memref<160x64xi32, #tpu.memory_space<vmem>> -> memref<1x64xi32, #tpu.memory_space<vmem>>
        %dma_start3A_84 = tpu.memref_squeeze %dma_start3A_83 : memref<1x64xi32, #tpu.memory_space<vmem>> -> memref<64xi32, #tpu.memory_space<vmem>>
        %dma_start3A_85 = arith.constant 0 : i32
        %dma_start3A_86 = arith.constant 0 : i32
        %dma_start3A_87 = tpu.memref_slice %arg10[%dma_start3A_85, %dma_start3A_86] : memref<10112x128xf32, #tpu.memory_space<vmem_shared>> -> memref<10112x128xf32, #tpu.memory_space<vmem_shared>>
        tpu.enqueue_indirect_dma source(%arg15 : memref<64x128xf32, #tpu.memory_space<vmem>>) target(%dma_start3A_87 : memref<10112x128xf32, #tpu.memory_space<vmem_shared>>) offsets(%dma_start3A_84 : memref<64xi32, #tpu.memory_space<vmem>>) semaphore(%run_scoped3A : memref<!tpu.dma_semaphore, #tpu.memory_space<semaphore_mem>>) {add = true}
        %dma_wait3A_88 = arith.constant 0 : i32
        %dma_wait3A_89 = tpu.memref_slice %arg13[%add3A_66, %dma_wait3A_88] : memref<160x64xi32, #tpu.memory_space<vmem>> -> memref<1x64xi32, #tpu.memory_space<vmem>>
        %dma_wait3A_90 = tpu.memref_squeeze %dma_wait3A_89 : memref<1x64xi32, #tpu.memory_space<vmem>> -> memref<64xi32, #tpu.memory_space<vmem>>
        %dma_wait3A_91 = arith.constant 0 : i32
        %dma_wait3A_92 = arith.constant 0 : i32
        %dma_wait3A_93 = tpu.memref_slice %arg10[%dma_wait3A_91, %dma_wait3A_92] : memref<10112x128xf32, #tpu.memory_space<vmem_shared>> -> memref<10112x128xf32, #tpu.memory_space<vmem_shared>>
        tpu.wait_indirect_dma semaphore(%run_scoped3A : memref<!tpu.dma_semaphore, #tpu.memory_space<semaphore_mem>>) src(%arg15 : memref<64x128xf32, #tpu.memory_space<vmem>>) dst(%dma_wait3A_93 : memref<10112x128xf32, #tpu.memory_space<vmem_shared>>)
        tpu.yield
      }) : () -> ()
      "tpu.region"() ({
        %run_scoped3A = tpu.sem_alloc : memref<!tpu.dma_semaphore, #tpu.memory_space<semaphore_mem>>
        %dma_start3A_82 = arith.constant 0 : i32
        %dma_start3A_83 = tpu.memref_slice %arg13[%add3A_66, %dma_start3A_82] : memref<160x64xi32, #tpu.memory_space<vmem>> -> memref<1x64xi32, #tpu.memory_space<vmem>>
        %dma_start3A_84 = tpu.memref_squeeze %dma_start3A_83 : memref<1x64xi32, #tpu.memory_space<vmem>> -> memref<64xi32, #tpu.memory_space<vmem>>
        %dma_start3A_85 = arith.constant 0 : i32
        %dma_start3A_86 = tpu.memref_slice %arg11[%dma_start3A_85] : memref<10112xf32, #tpu.memory_space<vmem_shared>> -> memref<10112xf32, #tpu.memory_space<vmem_shared>>
        tpu.enqueue_indirect_dma source(%arg16 : memref<64xf32, #tpu.memory_space<vmem>>) target(%dma_start3A_86 : memref<10112xf32, #tpu.memory_space<vmem_shared>>) offsets(%dma_start3A_84 : memref<64xi32, #tpu.memory_space<vmem>>) semaphore(%run_scoped3A : memref<!tpu.dma_semaphore, #tpu.memory_space<semaphore_mem>>) {add = true}
        %dma_wait3A_87 = arith.constant 0 : i32
        %dma_wait3A_88 = tpu.memref_slice %arg13[%add3A_66, %dma_wait3A_87] : memref<160x64xi32, #tpu.memory_space<vmem>> -> memref<1x64xi32, #tpu.memory_space<vmem>>
        %dma_wait3A_89 = tpu.memref_squeeze %dma_wait3A_88 : memref<1x64xi32, #tpu.memory_space<vmem>> -> memref<64xi32, #tpu.memory_space<vmem>>
        %dma_wait3A_90 = arith.constant 0 : i32
        %dma_wait3A_91 = tpu.memref_slice %arg11[%dma_wait3A_90] : memref<10112xf32, #tpu.memory_space<vmem_shared>> -> memref<10112xf32, #tpu.memory_space<vmem_shared>>
        tpu.wait_indirect_dma semaphore(%run_scoped3A : memref<!tpu.dma_semaphore, #tpu.memory_space<semaphore_mem>>) src(%arg16 : memref<64xf32, #tpu.memory_space<vmem>>) dst(%dma_wait3A_91 : memref<10112xf32, #tpu.memory_space<vmem_shared>>)
        tpu.yield
      }) : () -> ()
      %add3A_72 = arith.constant 2 : i32
      %add3A_73 = arith.addi %add3A_66, %add3A_72 : i32
      %min3A_74 = arith.constant 159 : i32
      %min3A_75 = arith.minsi %add3A_73, %min3A_74 : i32
      %mul3A_76 = arith.constant 64 : i32
      %mul3A_77 = arith.muli %min3A_75, %mul3A_76 : i32
      %dma_start3A_78 = tpu.memref_slice %arg12[%mul3A_77] : memref<10240xi32, #tpu.memory_space<vmem>> -> memref<64xi32, #tpu.memory_space<vmem>>
      %dma_start3A_79 = arith.constant 0 : i32
      %dma_start3A_80 = arith.constant 0 : i32
      %dma_start3A_81 = tpu.memref_slice %arg2[%dma_start3A_79, %dma_start3A_80] : memref<10000x128xf32, #tpu.memory_space<hbm>> -> memref<10000x128xf32, #tpu.memory_space<hbm>>
      tpu.enqueue_indirect_dma source(%dma_start3A_81 : memref<10000x128xf32, #tpu.memory_space<hbm>>) target(%arg15 : memref<64x128xf32, #tpu.memory_space<vmem>>) offsets(%dma_start3A_78 : memref<64xi32, #tpu.memory_space<vmem>>) semaphore(%arg18 : memref<!tpu.dma_semaphore, #tpu.memory_space<semaphore_mem>>)
    }
    %scan3A_27 = arith.constant 80 : i32
    %dma_wait3A = arith.constant 0 : i32
    %dma_wait3A_28 = tpu.memref_slice %arg12[%dma_wait3A] : memref<10240xi32, #tpu.memory_space<vmem>> -> memref<64xi32, #tpu.memory_space<vmem>>
    %dma_wait3A_29 = arith.constant 0 : i32
    %dma_wait3A_30 = arith.constant 0 : i32
    %dma_wait3A_31 = tpu.memref_slice %arg2[%dma_wait3A_29, %dma_wait3A_30] : memref<10000x128xf32, #tpu.memory_space<hbm>> -> memref<10000x128xf32, #tpu.memory_space<hbm>>
    tpu.wait_indirect_dma semaphore(%arg17 : memref<!tpu.dma_semaphore, #tpu.memory_space<semaphore_mem>>) src(%dma_wait3A_31 : memref<10000x128xf32, #tpu.memory_space<hbm>>) dst(%arg14 : memref<64x128xf32, #tpu.memory_space<vmem>>)
    %dma_wait3A_32 = arith.constant 0 : i32
    %dma_wait3A_33 = tpu.memref_slice %arg12[%dma_wait3A_32] : memref<10240xi32, #tpu.memory_space<vmem>> -> memref<64xi32, #tpu.memory_space<vmem>>
    %dma_wait3A_34 = arith.constant 0 : i32
    %dma_wait3A_35 = arith.constant 0 : i32
    %dma_wait3A_36 = tpu.memref_slice %arg2[%dma_wait3A_34, %dma_wait3A_35] : memref<10000x128xf32, #tpu.memory_space<hbm>> -> memref<10000x128xf32, #tpu.memory_space<hbm>>
    tpu.wait_indirect_dma semaphore(%arg18 : memref<!tpu.dma_semaphore, #tpu.memory_space<semaphore_mem>>) src(%dma_wait3A_36 : memref<10000x128xf32, #tpu.memory_space<hbm>>) dst(%arg15 : memref<64x128xf32, #tpu.memory_space<vmem>>)
    %barrier3A_37 = arith.constant 0 : index
    tpu.barrier barrier_id(%barrier3A_37)
    %eq3A_38 = arith.constant 0 : i32
    %eq3A_39 = arith.cmpi eq, %arg1, %eq3A_38 : i32
    %convert_element_type3A_40 = arith.extui %eq3A_39 : i1 to i32
    %cond3A_41 = arith.constant 0 : i32
    %cond3A_42 = arith.cmpi ne, %convert_element_type3A_40, %cond3A_41 : i32
    scf.if %cond3A_42 {
      %mul3A_43 = arith.constant 10112 : i32
      %mul3A_44 = arith.muli %arg0, %mul3A_43 : i32
      "tpu.region"() ({
        %run_scoped3A = tpu.sem_alloc : memref<!tpu.dma_semaphore, #tpu.memory_space<semaphore_mem>>
        %dma_start3A_47 = arith.constant 0 : i32
        %dma_start3A_48 = tpu.memref_slice %arg8[%mul3A_44, %dma_start3A_47] : memref<20224x128xf32, #tpu.memory_space<hbm>> -> memref<10112x128xf32, #tpu.memory_space<hbm>>
        tpu.enqueue_dma source(%arg10 : memref<10112x128xf32, #tpu.memory_space<vmem_shared>>) target(%dma_start3A_48 : memref<10112x128xf32, #tpu.memory_space<hbm>>) target_semaphore(%run_scoped3A : memref<!tpu.dma_semaphore, #tpu.memory_space<semaphore_mem>>)
        %dma_wait3A_49 = arith.constant 0 : i32
        %dma_wait3A_50 = tpu.memref_slice %arg8[%mul3A_44, %dma_wait3A_49] : memref<20224x128xf32, #tpu.memory_space<hbm>> -> memref<10112x128xf32, #tpu.memory_space<hbm>>
        tpu.wait_dma2 semaphore(%run_scoped3A : memref<!tpu.dma_semaphore, #tpu.memory_space<semaphore_mem>>) src(%arg10 : memref<10112x128xf32, #tpu.memory_space<vmem_shared>>) dst(%dma_wait3A_50 : memref<10112x128xf32, #tpu.memory_space<hbm>>)
        tpu.yield
      }) : () -> ()
      %mul3A_45 = arith.constant 10112 : i32
      %mul3A_46 = arith.muli %arg0, %mul3A_45 : i32
      "tpu.region"() ({
        %run_scoped3A = tpu.sem_alloc : memref<!tpu.dma_semaphore, #tpu.memory_space<semaphore_mem>>
        %dma_start3A_47 = tpu.memref_slice %arg9[%mul3A_46] : memref<20224xf32, #tpu.memory_space<hbm>> -> memref<10112xf32, #tpu.memory_space<hbm>>
        tpu.enqueue_dma source(%arg11 : memref<10112xf32, #tpu.memory_space<vmem_shared>>) target(%dma_start3A_47 : memref<10112xf32, #tpu.memory_space<hbm>>) target_semaphore(%run_scoped3A : memref<!tpu.dma_semaphore, #tpu.memory_space<semaphore_mem>>)
        %dma_wait3A_48 = tpu.memref_slice %arg9[%mul3A_46] : memref<20224xf32, #tpu.memory_space<hbm>> -> memref<10112xf32, #tpu.memory_space<hbm>>
        tpu.wait_dma2 semaphore(%run_scoped3A : memref<!tpu.dma_semaphore, #tpu.memory_space<semaphore_mem>>) src(%arg11 : memref<10112xf32, #tpu.memory_space<vmem_shared>>) dst(%dma_wait3A_48 : memref<10112xf32, #tpu.memory_space<hbm>>)
        tpu.yield
      }) : () -> ()
    } else {
    }
    return
  }
}

module attributes {stable_mosaic.version = 14 : i64} {
  func.func @_logmap_body(%arg0: i32, %arg1: memref<1000x128xf32, #tpu.memory_space<vmem>>, %arg2: memref<1000x128xf32, #tpu.memory_space<vmem>>) attributes {dimension_semantics = [#tpu.dimension_semantics<arbitrary>], iteration_bounds = array<i64: 10>, scalar_prefetch = 0 : i64, scratch_operands = 0 : i64, tpu.core_type = #tpu.core_type<tc>, window_params = [{transform_indices = @transform_0, window_bounds = array<i64: 1000, 128>}, {transform_indices = @transform_1, window_bounds = array<i64: 1000, 128>}]} {
    %get3A = arith.constant 0 : index
    %get3A_0 = arith.constant 0 : index
    %get3A_1 = vector.load %arg1[%get3A, %get3A_0] : memref<1000x128xf32, #tpu.memory_space<vmem>>, vector<1000x128xf32>
    %mul3A = arith.mulf %get3A_1, %get3A_1 : vector<1000x128xf32>
    %reduce_sum3A = arith.constant dense<0.000000e+00> : vector<1000xf32>
    %reduce_sum3A_2 = vector.multi_reduction <add>, %mul3A, %reduce_sum3A [1] : vector<1000x128xf32> to vector<1000xf32>
    %broadcast_in_dim3A = vector.shape_cast %reduce_sum3A_2 : vector<1000xf32> to vector<1000x1xf32>
    %sqrt3A = math.sqrt %broadcast_in_dim3A : vector<1000x1xf32>
    %jit3A = arith.constant 9.99999974E-6 : f32
    %jit3A_3 = arith.constant 0.999989986 : f32
    %max3A = vector.broadcast %jit3A : f32 to vector<1000x1xf32>
    %max3A_4 = arith.maximumf %max3A, %sqrt3A : vector<1000x1xf32>
    %min3A = vector.broadcast %jit3A_3 : f32 to vector<1000x1xf32>
    %min3A_5 = arith.minimumf %min3A, %max3A_4 : vector<1000x1xf32>
    %add3A = arith.constant 1.000000e+00 : f32
    %add3A_6 = vector.broadcast %add3A : f32 to vector<1000x1xf32>
    %add3A_7 = arith.addf %add3A_6, %min3A_5 : vector<1000x1xf32>
    %sub3A = arith.constant 1.000000e+00 : f32
    %sub3A_8 = vector.broadcast %sub3A : f32 to vector<1000x1xf32>
    %sub3A_9 = arith.subf %sub3A_8, %min3A_5 : vector<1000x1xf32>
    %div3A = arith.divf %add3A_7, %sub3A_9 : vector<1000x1xf32>
    %log3A = math.log %div3A : vector<1000x1xf32>
    %mul3A_10 = arith.constant 5.000000e-01 : f32
    %mul3A_11 = vector.broadcast %mul3A_10 : f32 to vector<1000x1xf32>
    %mul3A_12 = arith.mulf %mul3A_11, %log3A : vector<1000x1xf32>
    %mul3A_13 = vector.broadcast %mul3A_12 : vector<1000x1xf32> to vector<1000x128xf32>
    %mul3A_14 = arith.mulf %mul3A_13, %get3A_1 : vector<1000x128xf32>
    %max3A_15 = arith.constant 9.99999974E-6 : f32
    %max3A_16 = vector.broadcast %max3A_15 : f32 to vector<1000x1xf32>
    %max3A_17 = arith.maximumf %sqrt3A, %max3A_16 : vector<1000x1xf32>
    %div3A_18 = vector.broadcast %max3A_17 : vector<1000x1xf32> to vector<1000x128xf32>
    %div3A_19 = arith.divf %mul3A_14, %div3A_18 : vector<1000x128xf32>
    %swap3A = arith.constant 0 : index
    %swap3A_20 = arith.constant 0 : index
    %swap3A_21 = vector.load %arg2[%swap3A, %swap3A_20] : memref<1000x128xf32, #tpu.memory_space<vmem>>, vector<1000x128xf32>
    tpu.vector_store %arg2[%swap3A, %swap3A_20], %div3A_19 {strides = array<i32>} : memref<1000x128xf32, #tpu.memory_space<vmem>>, vector<1000x128xf32>,
    return
  }
  func.func @transform_0(%arg0: i32) -> (i32, i32) {
    %c0_i32 = arith.constant 0 : i32
    %c0_i32_0 = arith.constant 0 : i32
    return %arg0, %c0_i32 : i32, i32
  }
  func.func @transform_1(%arg0: i32) -> (i32, i32) {
    %c0_i32 = arith.constant 0 : i32
    %c0_i32_0 = arith.constant 0 : i32
    return %arg0, %c0_i32 : i32, i32
  }
}

module attributes {stable_mosaic.version = 14 : i64} {
  func.func @_combine_body(%arg0: i32, %arg1: memref<2x1000x128xf32, #tpu.memory_space<vmem>>, %arg2: memref<2x1000x1xf32, #tpu.memory_space<vmem>>, %arg3: memref<1000x128xf32, #tpu.memory_space<vmem>>) attributes {dimension_semantics = [#tpu.dimension_semantics<arbitrary>], iteration_bounds = array<i64: 10>, scalar_prefetch = 0 : i64, scratch_operands = 0 : i64, tpu.core_type = #tpu.core_type<tc>, window_params = [{transform_indices = @transform_0, window_bounds = array<i64: 2, 1000, 128>}, {transform_indices = @transform_1, window_bounds = array<i64: 2, 1000, 1>}, {transform_indices = @transform_2, window_bounds = array<i64: 1000, 128>}]} {
    %get3A = arith.constant 0 : index
    %get3A_0 = arith.constant 0 : index
    %get3A_1 = arith.constant 0 : index
    %get3A_2 = vector.load %arg1[%get3A, %get3A_0, %get3A_1] : memref<2x1000x128xf32, #tpu.memory_space<vmem>>, vector<1x1000x128xf32>
    %get3A_3 = vector.shape_cast %get3A_2 : vector<1x1000x128xf32> to vector<1000x128xf32>
    %get3A_4 = arith.constant 1 : index
    %get3A_5 = arith.constant 0 : index
    %get3A_6 = arith.constant 0 : index
    %get3A_7 = vector.load %arg1[%get3A_4, %get3A_5, %get3A_6] : memref<2x1000x128xf32, #tpu.memory_space<vmem>>, vector<1x1000x128xf32>
    %get3A_8 = vector.shape_cast %get3A_7 : vector<1x1000x128xf32> to vector<1000x128xf32>
    %add3A = arith.addf %get3A_3, %get3A_8 : vector<1000x128xf32>
    %get3A_9 = arith.constant 0 : index
    %get3A_10 = arith.constant 0 : index
    %get3A_11 = arith.constant 0 : index
    %get3A_12 = vector.load %arg2[%get3A_9, %get3A_10, %get3A_11] : memref<2x1000x1xf32, #tpu.memory_space<vmem>>, vector<1x1000x1xf32>
    %get3A_13 = vector.shape_cast %get3A_12 : vector<1x1000x1xf32> to vector<1000x1xf32>
    %get3A_14 = arith.constant 1 : index
    %get3A_15 = arith.constant 0 : index
    %get3A_16 = arith.constant 0 : index
    %get3A_17 = vector.load %arg2[%get3A_14, %get3A_15, %get3A_16] : memref<2x1000x1xf32, #tpu.memory_space<vmem>>, vector<1x1000x1xf32>
    %get3A_18 = vector.shape_cast %get3A_17 : vector<1x1000x1xf32> to vector<1000x1xf32>
    %add3A_19 = arith.addf %get3A_13, %get3A_18 : vector<1000x1xf32>
    %max3A = arith.constant 1.000000e+00 : f32
    %max3A_20 = vector.broadcast %max3A : f32 to vector<1000x1xf32>
    %max3A_21 = arith.maximumf %add3A_19, %max3A_20 : vector<1000x1xf32>
    %div3A = vector.broadcast %max3A_21 : vector<1000x1xf32> to vector<1000x128xf32>
    %div3A_22 = arith.divf %add3A, %div3A : vector<1000x128xf32>
    %mul3A = arith.mulf %div3A_22, %div3A_22 : vector<1000x128xf32>
    %reduce_sum3A = arith.constant dense<0.000000e+00> : vector<1000xf32>
    %reduce_sum3A_23 = vector.multi_reduction <add>, %mul3A, %reduce_sum3A [1] : vector<1000x128xf32> to vector<1000xf32>
    %broadcast_in_dim3A = vector.shape_cast %reduce_sum3A_23 : vector<1000xf32> to vector<1000x1xf32>
    %sqrt3A = math.sqrt %broadcast_in_dim3A : vector<1000x1xf32>
    %max3A_24 = arith.constant 9.99999974E-6 : f32
    %max3A_25 = vector.broadcast %max3A_24 : f32 to vector<1000x1xf32>
    %max3A_26 = arith.maximumf %sqrt3A, %max3A_25 : vector<1000x1xf32>
    %jit3A = arith.constant -1.500000e+01 : f32
    %jit3A_27 = arith.constant 1.500000e+01 : f32
    %max3A_28 = vector.broadcast %jit3A : f32 to vector<1000x1xf32>
    %max3A_29 = arith.maximumf %max3A_28, %max3A_26 : vector<1000x1xf32>
    %min3A = vector.broadcast %jit3A_27 : f32 to vector<1000x1xf32>
    %min3A_30 = arith.minimumf %min3A, %max3A_29 : vector<1000x1xf32>
    %tanh3A = math.tanh %min3A_30 : vector<1000x1xf32>
    %mul3A_31 = vector.broadcast %tanh3A : vector<1000x1xf32> to vector<1000x128xf32>
    %mul3A_32 = arith.mulf %mul3A_31, %div3A_22 : vector<1000x128xf32>
    %div3A_33 = vector.broadcast %max3A_26 : vector<1000x1xf32> to vector<1000x128xf32>
    %div3A_34 = arith.divf %mul3A_32, %div3A_33 : vector<1000x128xf32>
    %mul3A_35 = arith.mulf %div3A_34, %div3A_34 : vector<1000x128xf32>
    %reduce_sum3A_36 = arith.constant dense<0.000000e+00> : vector<1000xf32>
    %reduce_sum3A_37 = vector.multi_reduction <add>, %mul3A_35, %reduce_sum3A_36 [1] : vector<1000x128xf32> to vector<1000xf32>
    %broadcast_in_dim3A_38 = vector.shape_cast %reduce_sum3A_37 : vector<1000xf32> to vector<1000x1xf32>
    %sqrt3A_39 = math.sqrt %broadcast_in_dim3A_38 : vector<1000x1xf32>
    %broadcast_in_dim3A_40 = arith.constant 1.000000e+00 : f32
    %broadcast_in_dim3A_41 = vector.broadcast %broadcast_in_dim3A_40 : f32 to vector<1000x1xf32>
    %max3A_42 = arith.constant 9.99999974E-6 : f32
    %max3A_43 = vector.broadcast %max3A_42 : f32 to vector<1000x1xf32>
    %max3A_44 = arith.maximumf %sqrt3A_39, %max3A_43 : vector<1000x1xf32>
    %div3A_45 = arith.constant 0.999989986 : f32
    %div3A_46 = vector.broadcast %div3A_45 : f32 to vector<1000x1xf32>
    %div3A_47 = arith.divf %div3A_46, %max3A_44 : vector<1000x1xf32>
    %min3A_48 = arith.minimumf %broadcast_in_dim3A_41, %div3A_47 : vector<1000x1xf32>
    %mul3A_49 = vector.broadcast %min3A_48 : vector<1000x1xf32> to vector<1000x128xf32>
    %mul3A_50 = arith.mulf %div3A_34, %mul3A_49 : vector<1000x128xf32>
    %swap3A = arith.constant 0 : index
    %swap3A_51 = arith.constant 0 : index
    %swap3A_52 = vector.load %arg3[%swap3A, %swap3A_51] : memref<1000x128xf32, #tpu.memory_space<vmem>>, vector<1000x128xf32>
    tpu.vector_store %arg3[%swap3A, %swap3A_51], %mul3A_50 {strides = array<i32>} : memref<1000x128xf32, #tpu.memory_space<vmem>>, vector<1000x128xf32>,
    return
  }
  func.func @transform_0(%arg0: i32) -> (i32, i32, i32) {
    %c0_i32 = arith.constant 0 : i32
    %c0_i32_0 = arith.constant 0 : i32
    %c0_i32_1 = arith.constant 0 : i32
    return %c0_i32, %arg0, %c0_i32_0 : i32, i32, i32
  }
  func.func @transform_1(%arg0: i32) -> (i32, i32, i32) {
    %c0_i32 = arith.constant 0 : i32
    %c0_i32_0 = arith.constant 0 : i32
    %c0_i32_1 = arith.constant 0 : i32
    return %c0_i32, %arg0, %c0_i32_0 : i32, i32, i32
  }
  func.func @transform_2(%arg0: i32) -> (i32, i32) {
    %c0_i32 = arith.constant 0 : i32
    %c0_i32_0 = arith.constant 0 : i32
    return %arg0, %c0_i32 : i32, i32
  }
}

</mosaic_0001>

<sc_bundles>
// kernel: kernel.5.cloned.1.call-start
scs
__scs_entry_jumppad:
0x0: {  	(pc) =	sbr.rel $0x88, $3  }
0x1: {  	(tag) =	ssettag $0x0;
	lr =	simm.s32 $0x1  }
0x2: {  	[smem:$0x3F9F] =	sst lr;
	_ =	strace $0xD0000000  }
0x3: {  	_ = 	snop  }
0x4: {  	_ = 	snop  }
0x5: {  	_ = 	snop  }
0x6: {  	_ = 	snop  }
0x7: {  	_ = 	snop  }
__scs_overlays_trampoline_lowered:
0x8: {  	[smem:$0x3FAE] =	sst s0  }
0x9: {  	[smem:$0x3FAF] =	sst s1  }
0xa: {  	[smem:$0x3FB0] =	sst s2  }
0xb: {  	[smem:$0x3FB1] =	sst s3  }
0xc: {  	[smem:$0x3FB2] =	sst s4  }
0xd: {  	[smem:$0x3FB3] =	sst s5  }
0xe: {  	[smem:$0x3FB4] =	sst s6  }
0xf: {  	[smem:$0x3FB5] =	sst s7  }
0x10: {  	[smem:$0x3FB6] =	sst s8  }
0x11: {  	[smem:$0x3FB7] =	sst s9;
	s0 =	simm.s32 @!p0 $0x0  }
0x12: {  	s1 =	sld [smem:$0x3F9D];
	s0 =	simm.s32 @p0 $0x1  }
0x13: {  	[smem:$0x3FB8] =	sst s0;
	s0 =	simm.s32 @!p1 $0x0  }
0x14: {  	s2 =	sld [smem:$0x3F9C];
	s0 =	simm.s32 @p1 $0x1  }
0x15: {  	[smem:$0x3FB9] =	sst s0;
	s0 =	simm.s32 @!p2 $0x0  }
0x16: {  	s3 =	sld [smem:$0x3FDB];
	s0 =	simm.s32 @p2 $0x1  }
0x17: {  	s4 =	simm.s32 $0x1BF5;
	[smem:$0x3FBB] =	sst s0  }
0x18: {  	s0 =	sld [smem:$0x3F9E];
	_ =	swait.ge [sflag:s4], $0x0  }
0x19: {  	s7 =	sld [smem:$0x3F9F]  }
0x1a: {  	s8 =	sadd.s32 $0xFFFFE003, lr  }
0x1b: {  	s9 =	sadd.s32 $0xFFFFFEF7, lr;
	s5 =	simm.s32 $0xFFFFFFFF;
	p2 =	slt.u32 s8, $0xFFFFF086  }
0x1c: {  	p1 =	slt.u32 s9, $0xF7A;
	s5 =	simm.s32 @!p2 $0x0  }
0x1d: {  	s5 =	simm.s32 @p1 $0x1;
	p0 =	seq.s32 s7, s2  }
0x1e: {  	s7 =	smul.u32 @!p0 $0xF7A, s2;
	p2 =	seq.s32 @!p0 s5, $0x0  }
0x1f: {  	s9 =	smul.u32 $0xF7A, s1;
	s8 =	simm.s32 @!p0 $0x1BF5;
	p2 =	por !p2, p0  }
0x20: {  	[sflag:s8] =	ssyncset.s32 @!p0 $0xFFFFF086;
	s6 =	sadd.s32 @!p0 s3, s7;
	s7 =	simm.s32 @!p0 $0x108  }
0x21: {  	s3 =	sadd.s32 s3, s9;
	s6 =	sadd.s32 @!p0 $0x88, s6;
	s7 =	simm.s32 @p2 $0x1082  }
0x22: {  	[simem:s7], [sflag:s8] =	dma.local @!p0 [hbm:s6], $0xF7A  }
0x23: {  	s9 =	sor.u32 $0xD0000000, s2;
	s6 =	simm.s32 $0x108;
	_ =	swait.ge @!p0 [sflag:s8], $0x0  }
0x24: {  	s3 =	sadd.s32 $0x88, s3;
	s6 =	simm.s32 @!p1 $0x1082;
	[sflag:s4] =	ssyncset.s32 $0xFFFFF086  }
0x25: {  	[simem:s6], [sflag:s4] =	dma.local [hbm:s3], $0xF7A  }
0x26: {  	[smem:$0x3F9F] =	sst s1;
	(tag) =	ssettag s2;
	_ =	strace s9  }
0x27: {  	s1 =	sld [smem:$0x3FAF]  }
0x28: {  	s2 =	sld [smem:$0x3FB0]  }
0x29: {  	s4 =	sld [smem:$0x3FB2]  }
0x2a: {  	p0 =	seq.s32 s5, $0x0;
	s5 =	sld [smem:$0x3FB3]  }
0x2b: {  	s6 =	sld [smem:$0x3FB4]  }
0x2c: {  	s7 =	sld [smem:$0x3FB5]  }
0x2d: {  	s3 =	simm.s32 $0x108;
	s8 =	sld [smem:$0x3FB6]  }
0x2e: {  	s3 =	simm.s32 @!p0 $0x1082;
	s9 =	sld [smem:$0x3FB7]  }
0x2f: {  	lr =	sadd.s32 s0, s3;
	s0 =	sld [smem:$0x3FAE]  }
0x30: {  	s3 =	sld [smem:$0x3FB1]  }
0x31: {  	[smem:$0x3FBA] =	sst s10  }
0x32: {  	s10 =	sld [smem:$0x3FB8];
	_ =	sdelay $0x3  }
0x33: {  	p0 =	seq.s32 s10, $0x1;
	s10 =	sld [smem:$0x3FBA];
	_ =	sdelay $0x3  }
0x34: {  	[smem:$0x3FBA] =	sst s10  }
0x35: {  	s10 =	sld [smem:$0x3FB9];
	_ =	sdelay $0x3  }
0x36: {  	p1 =	seq.s32 s10, $0x1;
	s10 =	sld [smem:$0x3FBA];
	_ =	sdelay $0x3  }
0x37: {  	[smem:$0x3FBA] =	sst s10  }
0x38: {  	s10 =	sld [smem:$0x3FBB]  }
0x39: {  	_ = 	snop;
	(pc) =	sbr.ind lr, $3  }
0x3a: {  	_ = 	snop  }
0x3b: {  	_ = 	snop  }
0x3c: {  	p2 =	seq.s32 s10, $0x1;
	s10 =	sld [smem:$0x3FBA]  }
0x3d: {  	_ =	shalt  }
0x3e: {  	_ =	shalt  }
0x3f: {  	_ =	shalt  }
0x40: {  	_ =	shalt  }
0x41: {  	_ =	shalt  }
0x42: {  	_ =	shalt  }
0x43: {  	_ =	shalt  }
0x44: {  	_ =	shalt  }
0x45: {  	_ =	shalt  }
0x46: {  	_ =	shalt  }
0x47: {  	_ =	shalt  }
0x48: {  	_ =	shalt  }
0x49: {  	_ =	shalt  }
0x4a: {  	_ =	shalt  }
0x4b: {  	_ =	shalt  }
0x4c: {  	_ =	shalt  }
0x4d: {  	_ =	shalt  }
0x4e: {  	_ =	shalt  }
0x4f: {  	_ =	shalt  }
0x50: {  	_ =	shalt  }
0x51: {  	_ =	shalt  }
0x52: {  	_ =	shalt  }
0x53: {  	_ =	shalt  }
0x54: {  	_ =	shalt  }
0x55: {  	_ =	shalt  }
0x56: {  	_ =	shalt  }
0x57: {  	_ =	shalt  }
0x58: {  	_ =	shalt  }
0x59: {  	_ =	shalt  }
0x5a: {  	_ =	shalt  }
0x5b: {  	_ =	shalt  }
0x5c: {  	_ =	shalt  }
0x5d: {  	_ =	shalt  }
0x5e: {  	_ =	shalt  }
0x5f: {  	_ =	shalt  }
0x60: {  	_ =	shalt  }
0x61: {  	_ =	shalt  }
0x62: {  	_ =	shalt  }
0x63: {  	_ =	shalt  }
0x64: {  	_ =	shalt  }
0x65: {  	_ =	shalt  }
0x66: {  	_ =	shalt  }
0x67: {  	_ =	shalt  }
0x68: {  	_ =	shalt  }
0x69: {  	_ =	shalt  }
0x6a: {  	_ =	shalt  }
0x6b: {  	_ =	shalt  }
0x6c: {  	_ =	shalt  }
0x6d: {  	_ =	shalt  }
0x6e: {  	_ =	shalt  }
0x6f: {  	_ =	shalt  }
0x70: {  	_ =	shalt  }
0x71: {  	_ =	shalt  }
0x72: {  	_ =	shalt  }
0x73: {  	_ =	shalt  }
0x74: {  	_ =	shalt  }
0x75: {  	_ =	shalt  }
0x76: {  	_ =	shalt  }
0x77: {  	_ =	shalt  }
0x78: {  	_ =	shalt  }
0x79: {  	_ =	shalt  }
0x7a: {  	_ =	shalt  }
0x7b: {  	_ =	shalt  }
0x7c: {  	_ =	shalt  }
0x7d: {  	_ =	shalt  }
0x7e: {  	_ =	shalt  }
0x7f: {  	_ =	shalt  }
0x80: {  	_ =	shalt  }
0x81: {  	_ =	shalt  }
0x82: {  	_ =	shalt  }
0x83: {  	_ =	shalt  }
0x84: {  	_ =	shalt  }
0x85: {  	_ =	shalt  }
0x86: {  	_ =	shalt  }
0x87: {  	_ =	shalt  }
.Lfunc_end0:
.L_simem_size_0:
called_computation_lowered:
.L_overlay_start_0:
0x88: {  	s2 =	sld [smem:$0x3FD9]  }
0x89: {  	s3 =	sld [smem:$0x3FFE];
	_ =	sdelay $0x1  }
0x8a: {  	s1 =	srdreg.scid  }
0x8b: {  	s0 =	sand.u32 $0x1, s1  }
0x8c: {  	s17 =	sshll.u32 s0, $0xA;
	s2 =	sadd.s32 s3, s2  }
0x8d: {  	s2 =	sadd.s32 s2, s17  }
0x8e: {  	[smem:$0x3FC6] =	sst s2  }
0x8f: {  	_ = 	snop  }
0x90: {  	s2 =	sld [smem:$0x3FD0];
	(tm) =	ssettm $0x1  }
0x91: {  	s18 =	sld [smem:$0x3FFB];
	_ =	sdelay $0x3  }
0x92: {  	_ =	strace s18  }
0x93: {  	s3 =	sld [smem:$0x3FFC];
	_ =	sdelay $0x3  }
0x94: {  	_ =	strace s3  }
0x95: {  	s3 =	sld [smem:$0x3FFD];
	_ =	sdelay $0x3  }
0x96: {  	_ =	strace s3  }
0x97: {  	_ =	strace $0x8FFFFFFF  }
0x98: {  	s19 =	sld [smem:$0x3FDB];
	_ =	sdelay $0x1  }
0x99: {  	s4 =	simm.s32 $_scs_section_size  }
0x9a: {  	s5 =	simm.s32 $_size__tile_overlayer_lowered;
	s6 =	simm.s32 $_tile_overlayer_lowered  }
0x9b: {  	s22 =	simm.s32 $0x1BFF;
	s21 =	sshll.u32 s6, $0x1;
	s3 =	sadd.s32 s4, s19  }
0x9c: {  	s7 =	simm.s32 $0x0;
	s20 =	sshll.u32 s5, $0x1;
	s5 =	sadd.s32 s21, s3  }
0x9d: {  	[timem:s7], [sflag:s22] =	dma.local [hbm:s5], s20  }
0x9e: {  	_ =	swait.ge [sflag:s22], s20  }
0x9f: {  	s4 =	ssub.s32 $0x0, s20;
	[sflag:s22] =	ssyncset.done $0x0  }
0xa0: {  	[sflag:s22] =	ssyncadd.s32 s4;
	_ =	sdelay $0x1  }
0xa1: {  	s23 =	simm.s32 $0x1B8B  }
0xa2: {  	_ =	swait.ge [sflag:s23], $0x1  }
0xa3: {  	[sflag:s23] =	ssyncset.done $0x0  }
0xa4: {  	s25 =	simm.s32 $0x1B8E;
	s24 =	sld [smem:$0x3FFE];
	[sflag:s23] =	ssyncadd.s32 $0xFFFFFFFF  }
0xa5: {  	s26 =	simm.s32 $execute0_lowered;
	[smem:$0x3FD2] =	sst s25  }
0xa6: {  	s5 =	sshll.u32 s26, $0x1;
	_ =	strace $0x80000046;
	[dreg:$0x1] =	wrdreg $0xFFFFFFFF  }
0xa7: {  	s28 =	simm.s32 $_size_execute0_lowered;
	s3 =	sadd.s32 s3, s5;
	[dreg:$0x0] =	wrdreg $0x0  }
0xa8: {  	s5 =	sshll.u32 s28, $0x1;
	[dreg:$0x2] =	wrdreg s3  }
0xa9: {  	[dreg:$0x3] =	wrdreg s5  }
0xaa: {  	[dreg:$0x4] =	wrdreg $0xC0  }
0xab: {  	_ =	task [dreg:s7], $0x5FFFF  }
0xac: {  	[dreg:$0x1] =	wrdreg $0xFFFFFFFF  }
0xad: {  	[dreg:$0x0] =	wrdreg $0x60  }
0xae: {  	[dreg:$0x2] =	wrdreg s2  }
0xaf: {  	[dreg:$0x3] =	wrdreg s24  }
0xb0: {  	[dreg:$0x4] =	wrdreg $0x0  }
0xb1: {  	[dreg:$0x5] =	wrdreg $0x13C000  }
0xb2: {  	[dreg:$0x6] =	wrdreg $0x9  }
0xb3: {  	_ =	task.clear_ibuf [dreg:s7], $0x7FFFF;
	_ =	strace $0x90000046  }
0xb4: {  	s29 =	simm.s32 $0x9;
	_ =	strace $0x80000048  }
0xb5: {  	_ =	swait.ge [sflag:s29], $0x1  }
0xb6: {  	[sflag:s29] =	ssyncadd.s32 $0xFFFFFFFF  }
0xb7: {  	_ =	strace $0x90000048  }
0xb8: {  	_ =	sfence  }
0xb9: {  	s30 =	sld [smem:$0x0];
	_ =	sdelay $0x2  }
0xba: {  	s31 =	sshll.u32 s1, $0xD;
	s1 =	sshrl.u32 s1, $0x2  }
0xbb: {  	s3 =	sand.u32 $0x4000, s31;
	s1 =	sadd.s32 s1, s30  }
0xbc: {  	s0 =	sor.u32 s3, s0;
	s1 =	sshll.u32 s1, $0x11  }
0xbd: {  	s0 =	sor.u32 s1, s0  }
0xbe: {  	s0 =	sadd.s32 $0x8F2B, s0  }
0xbf: {  	[sflag:s0] =	ssyncadd.remote.s32 $0x1  }
0xc0: {  	_ =	sfence.sel $0xFFFF  }
0xc1: {  	[dreg:$0x0] =	wrdreg $0xFFFFFFFF;
	(pc) =	sbr.abs _section_cstart, $3  }
0xc2: {  	[dreg:$0x1] =	wrdreg $0xFFFFFFFF  }
0xc3: {  	_ =	task.clear_ibuf [dreg:s7], $0x2FFFF;
	_ =	strace $0x9FFFFFFF  }
0xc4: {  	(tm) =	ssettm $0x7FFFFFFF  }
0xc5: {  	_ =	shalt  }
tec
execute0_lowered:
.L_overlay_start_1:
0x0: {  	(tag) =	ssettag $0x1  }
0x1: {  	s0 =	rddreg [dreg:$0x0]  }
0x2: {  	s1 =	rddreg [dreg:$0x1];
	s3 =	srdreg.scid  }
0x3: {  	s11 =	stileid.u32;
	s2 =	rddreg [dreg:$0x2]  }
0x4: {  	s15 =	simm.s32 $0x1F678;
	s16 =	simm.s32 $0x3;
	s17 =	simm.s32 $0x13E78  }
0x5: {  	s19 =	simm.s32 $0x40;
	s20 =	simm.s32 $0x1B678;
	s22 =	simm.s32 $0x1D678  }
0x6: {  	s23 =	simm.s32 $0x1;
	s28 =	simm.s32 $0x1B4F8;
	s29 =	simm.s32 $0x16638  }
0x7: {  	s30 =	simm.s32 $0x1B578;
	s31 =	simm.s32 $0x1B5F8;
	s7 =	sand.u32 $0x1, s3  }
0x8: {  	s4 =	sshll.u32 s11, $0x1;
	s3 =	rddreg [dreg:$0x3];
	s24 =	sadd.s32 $0x1E600, s1  }
0x9: {  	s25 =	sadd.s32 $0x1EE00, s1;
	p0 =	sne.s32 s11, $0x0;
	s10 =	smul.u32 $0x27800, s7  }
0xa: {  	s5 =	sor.u32 s7, s4;
	s4 =	simm.s32 $0x0;
	s12 =	smul.u32 $0x4F0, s7  }
0xb: {  	s13 =	ssub.s32 $0x2, s7;
	s7 =	sadd.s32 $0x1E800, s1;
	[smem:$0x7FF] =	sst s4  }
0xc: {  	s6 =	smul.u32 $0x500, s5;
	_ =	strace $0x80000047;
	[dreg:$0x5] =	wrdreg s24  }
0xd: {  	s5 =	smul.u32 $0xA00, s5;
	s14 =	sshrl.u32 s13, $0x1;
	[dreg:$0x6] =	wrdreg s25  }
0xe: {  	s10 =	sadd.s32 s10, s1;
	s26 =	ssub.s32 s13, s14;
	s13 =	sshrl.u32 @!p0 s2, $0x3  }
0xf: {  	s14 =	sshrl.u32 @!p0 s3, $0x3;
	s24 =	simm.s32 $0x2;
	s25 =	simm.s32 $0x1B478  }
0x10: {  	s8 =	sadd.s32 s6, s1;
	s9 =	sadd.s32 s5, s1;
	s1 =	sadd.s32 s12, s1  }
0x11: {  	s10 =	sadd.s32 $0x47000, s10;
	s12 =	smax.u32 s26, $0x1;
	s8 =	sadd.s32 $0x14600, s8  }
0x12: {  	s9 =	sadd.s32 $0x600, s9;
	s11 =	sadd.s32 $0x46600, s1;
	s1 =	simm.s32 $0x0  }
.LBB2_1:
0x13: {  	s18 =	simm.s32 @!p0 $0x1C03;
	s5 =	rddreg [dreg:$0x6];
	s21 =	simm.s32 @!p0 $0x3  }
0x14: {  	[spmem:s13], [sflag:s18] =	dma.local @!p0 [hbm:s5], $0x27800  }
0x15: {  	_ =	swait.ge @!p0 [sflag:s21], $0x27800  }
0x16: {  	[sflag:s21] =	ssyncset.done @!p0 $0x0  }
0x17: {  	[sflag:s21] =	ssyncadd.s32 @!p0 $0xFFFD8800  }
0x18: {  	[spmem:s14], [sflag:s18] =	dma.local @!p0 [hbm:s7], $0x4F0  }
0x19: {  	_ =	swait.ge @!p0 [sflag:s21], $0x4F0  }
0x1a: {  	[sflag:s21] =	ssyncset.done @!p0 $0x0  }
0x1b: {  	s18 =	rddreg [dreg:$0x5];
	[sflag:s21] =	ssyncadd.s32 @!p0 $0xFFFFFB10  }
0x1c: {  	[tilespmem:s15], [sflag:$0x3] =	stream.linear.gather [hbm4b:s18+s4], $0x80, $0x38;
	[tilespmem:$0x1F6F8] =	vst v63  }
0x1d: {  	_ =	swait.ge [sflag:s16], $0x80  }
0x1e: {  	[sflag:s16] =	ssyncset.done $0x0  }
0x1f: {  	[sflag:s16] =	ssyncadd.s32 $0xFFFFFF80  }
0x20: {  	[tilespmem:s17], [sflag:$0x3] =	stream.linear.gather [hbm4b:s8+s4], $0x2800, $0x38;
	[tilespmem:$0x1F6F8] =	vst v63  }
0x21: {  	_ =	swait.ge [sflag:s16], $0x2800  }
0x22: {  	[sflag:s16] =	ssyncset.done $0x0  }
0x23: {  	s21 =	simm.s32 $0x16678;
	[sflag:s16] =	ssyncadd.s32 $0xFFFFD800  }
0x24: {  	[tilespmem:s21], [sflag:$0x3] =	stream.linear.gather [hbm4b:s9+s4], $0x5000, $0x38;
	[tilespmem:$0x1F6F8] =	vst v63  }
0x25: {  	_ =	swait.ge [sflag:s16], $0x5000  }
0x26: {  	[sflag:s16] =	ssyncset.done $0x0  }
0x27: {  	[sflag:s16] =	ssyncadd.s32 $0xFFFFB000  }
0x28: {  	[bflag:$0x0] =	sbarrier.arrive $0xFFFF  }
0x29: {  	[tilespmem:s20], [sflag:$0x1] =	stream.indirect.gather [hbm4b:s0+s19], $0x80, s17, s19, $0xb8;
	[tilespmem:$0x1F6F8] =	vst v63  }
0x2a: {  	s26 =	simm.s32 $0x13EB8  }
0x2b: {  	[tilespmem:s22], [sflag:$0x2] =	stream.indirect.gather [hbm4b:s0+s19], $0x80, s26, s19, $0xb8;
	[tilespmem:$0x1F6F8] =	vst v63  }
0x2c: {  	_ =	swait.ge [sflag:s23], $0x2000  }
0x2d: {  	[sflag:s23] =	ssyncset.done $0x0  }
0x2e: {  	s6 =	simm.s32 $0x16678;
	[sflag:s23] =	ssyncadd.s32 $0xFFFFE000  }
0x2f: {  	[spmem:s2] =	stream.indirect.scatter.add.f32 [tilespmem:s20], [sflag:$0x3], $0x80, s6, s19, $0xb8;
	[tilespmem:$0x1F6F8] =	vst v63  }
0x30: {  	_ =	swait.ge [sflag:s16], $0x2000  }
0x31: {  	[sflag:s16] =	ssyncset.done $0x0  }
0x32: {  	[sflag:s16] =	ssyncadd.s32 $0xFFFFE000  }
0x33: {  	[spmem:s3] =	stream.indirect.scatter.add.f32 [tilespmem:s15], [sflag:$0x3], $0x1, s6, s19, $0xb8;
	[tilespmem:$0x1F6F8] =	vst v63  }
0x34: {  	_ =	swait.ge [sflag:s16], $0x40  }
0x35: {  	[sflag:s16] =	ssyncset.done $0x0  }
0x36: {  	s21 =	simm.s32 $0x13EF8;
	[sflag:s16] =	ssyncadd.s32 $0xFFFFFFC0  }
0x37: {  	[tilespmem:s20], [sflag:$0x1] =	stream.indirect.gather [hbm4b:s0+s19], $0x80, s21, s19, $0xb8;
	[tilespmem:$0x1F6F8] =	vst v63  }
0x38: {  	_ =	swait.ge [sflag:s24], $0x2000  }
0x39: {  	[sflag:s24] =	ssyncset.done $0x0  }
0x3a: {  	s26 =	simm.s32 $0x166F8;
	[sflag:s24] =	ssyncadd.s32 $0xFFFFE000  }
0x3b: {  	[spmem:s2] =	stream.indirect.scatter.add.f32 [tilespmem:s22], [sflag:$0x3], $0x80, s26, s19, $0xb8;
	[tilespmem:$0x1F6F8] =	vst v63  }
0x3c: {  	_ =	swait.ge [sflag:s16], $0x2000  }
0x3d: {  	[sflag:s16] =	ssyncset.done $0x0  }
0x3e: {  	[sflag:s16] =	ssyncadd.s32 $0xFFFFE000  }
0x3f: {  	[spmem:s3] =	stream.indirect.scatter.add.f32 [tilespmem:s15], [sflag:$0x3], $0x1, s26, s19, $0xb8;
	[tilespmem:$0x1F6F8] =	vst v63  }
0x40: {  	_ =	swait.ge [sflag:s16], $0x40  }
0x41: {  	s18 =	simm.s32 $0x13F38;
	[sflag:s16] =	ssyncset.done $0x0  }
0x42: {  	s21 =	simm.s32 $0x400;
	s26 =	simm.s32 $0x13FB8;
	[sflag:s16] =	ssyncadd.s32 $0xFFFFFFC0  }
.LBB2_2:
0x43: {  	[tilespmem:s22], [sflag:$0x2] =	stream.indirect.gather [hbm4b:s0+s19], $0x80, s18, s19, $0xb8;
	[tilespmem:$0x1F6F8] =	vst v63  }
0x44: {  	s5 =	smov.u32 s21;
	s18 =	smov.u32 s26  }
0x45: {  	p1 =	sne.s32 s21, $0x13400;
	s21 =	sadd.s32 $0x400, s21;
	_ =	swait.ge [sflag:s23], $0x2000  }
0x46: {  	s5 =	sshra.s32 s5, $0x2;
	[sflag:s23] =	ssyncset.done $0x0  }
0x47: {  	s6 =	sadd.s32 $0x16678, s5;
	[sflag:s23] =	ssyncadd.s32 $0xFFFFE000  }
0x48: {  	[spmem:s2] =	stream.indirect.scatter.add.f32 [tilespmem:s20], [sflag:$0x3], $0x80, s6, s19, $0xb8;
	[tilespmem:$0x1F6F8] =	vst v63  }
0x49: {  	_ =	swait.ge [sflag:s16], $0x2000  }
0x4a: {  	[sflag:s16] =	ssyncset.done $0x0  }
0x4b: {  	[sflag:s16] =	ssyncadd.s32 $0xFFFFE000  }
0x4c: {  	[spmem:s3] =	stream.indirect.scatter.add.f32 [tilespmem:s15], [sflag:$0x3], $0x1, s6, s19, $0xb8;
	[tilespmem:$0x1F6F8] =	vst v63  }
0x4d: {  	_ =	swait.ge [sflag:s16], $0x40  }
0x4e: {  	[sflag:s16] =	ssyncset.done $0x0  }
0x4f: {  	s6 =	sadd.s32 $0xFFFFFFC0, s26;
	[sflag:s16] =	ssyncadd.s32 $0xFFFFFFC0  }
0x50: {  	[tilespmem:s20], [sflag:$0x1] =	stream.indirect.gather [hbm4b:s0+s19], $0x80, s6, s19, $0xb8;
	[tilespmem:$0x1F6F8] =	vst v63  }
0x51: {  	_ =	swait.ge [sflag:s24], $0x2000  }
0x52: {  	[sflag:s24] =	ssyncset.done $0x0  }
0x53: {  	s5 =	sadd.s32 $0x166F8, s5;
	[sflag:s24] =	ssyncadd.s32 $0xFFFFE000  }
0x54: {  	[spmem:s2] =	stream.indirect.scatter.add.f32 [tilespmem:s22], [sflag:$0x3], $0x80, s5, s19, $0xb8;
	[tilespmem:$0x1F6F8] =	vst v63  }
0x55: {  	_ =	swait.ge [sflag:s16], $0x2000  }
0x56: {  	[sflag:s16] =	ssyncset.done $0x0  }
.Ltmp0:
0x57: {  	[sflag:s16] =	ssyncadd.s32 $0xFFFFE000;
	(pc) =	sbr.rel @p1 .LBB2_2-.Ltmp0, $4  }
0x58: {  	[spmem:s3] =	stream.indirect.scatter.add.f32 [tilespmem:s15], [sflag:$0x3], $0x1, s5, s19, $0xb8;
	[tilespmem:$0x1F6F8] =	vst v63  }
0x59: {  	_ =	swait.ge [sflag:s16], $0x40  }
0x5a: {  	[sflag:s16] =	ssyncset.done $0x0  }
0x5b: {  	s26 =	sadd.s32 $0x80, s26;
	[sflag:s16] =	ssyncadd.s32 $0xFFFFFFC0  }
0x5c: {  	[tilespmem:s22], [sflag:$0x2] =	stream.indirect.gather [hbm4b:s0+s19], $0x80, s18, s19, $0xb8;
	[tilespmem:$0x1F6F8] =	vst v63  }
0x5d: {  	_ =	swait.ge [sflag:s23], $0x2000  }
0x5e: {  	[sflag:s23] =	ssyncset.done $0x0  }
0x5f: {  	[sflag:s23] =	ssyncadd.s32 $0xFFFFE000  }
0x60: {  	[spmem:s2] =	stream.indirect.scatter.add.f32 [tilespmem:s20], [sflag:$0x3], $0x80, s25, s19, $0xb8;
	[tilespmem:$0x1F6F8] =	vst v63  }
0x61: {  	_ =	swait.ge [sflag:s16], $0x2000  }
0x62: {  	[sflag:s16] =	ssyncset.done $0x0  }
0x63: {  	[sflag:s16] =	ssyncadd.s32 $0xFFFFE000  }
0x64: {  	[spmem:s3] =	stream.indirect.scatter.add.f32 [tilespmem:s15], [sflag:$0x3], $0x1, s25, s19, $0xb8;
	[tilespmem:$0x1F6F8] =	vst v63  }
0x65: {  	_ =	swait.ge [sflag:s16], $0x40  }
0x66: {  	[sflag:s16] =	ssyncset.done $0x0  }
0x67: {  	s5 =	simm.s32 $0x165F8;
	[sflag:s16] =	ssyncadd.s32 $0xFFFFFFC0  }
0x68: {  	[tilespmem:s20], [sflag:$0x1] =	stream.indirect.gather [hbm4b:s0+s19], $0x80, s5, s19, $0xb8;
	[tilespmem:$0x1F6F8] =	vst v63  }
0x69: {  	_ =	swait.ge [sflag:s24], $0x2000  }
0x6a: {  	[sflag:s24] =	ssyncset.done $0x0  }
0x6b: {  	[sflag:s24] =	ssyncadd.s32 $0xFFFFE000  }
0x6c: {  	[spmem:s2] =	stream.indirect.scatter.add.f32 [tilespmem:s22], [sflag:$0x3], $0x80, s28, s19, $0xb8;
	[tilespmem:$0x1F6F8] =	vst v63  }
0x6d: {  	_ =	swait.ge [sflag:s16], $0x2000  }
0x6e: {  	[sflag:s16] =	ssyncset.done $0x0  }
0x6f: {  	[sflag:s16] =	ssyncadd.s32 $0xFFFFE000  }
0x70: {  	[spmem:s3] =	stream.indirect.scatter.add.f32 [tilespmem:s15], [sflag:$0x3], $0x1, s28, s19, $0xb8;
	[tilespmem:$0x1F6F8] =	vst v63  }
0x71: {  	_ =	swait.ge [sflag:s16], $0x40  }
0x72: {  	[sflag:s16] =	ssyncset.done $0x0  }
0x73: {  	[sflag:s16] =	ssyncadd.s32 $0xFFFFFFC0  }
0x74: {  	[tilespmem:s22], [sflag:$0x2] =	stream.indirect.gather [hbm4b:s0+s19], $0x80, s29, s19, $0xb8;
	[tilespmem:$0x1F6F8] =	vst v63  }
0x75: {  	_ =	swait.ge [sflag:s23], $0x2000  }
0x76: {  	[sflag:s23] =	ssyncset.done $0x0  }
0x77: {  	[sflag:s23] =	ssyncadd.s32 $0xFFFFE000  }
0x78: {  	[spmem:s2] =	stream.indirect.scatter.add.f32 [tilespmem:s20], [sflag:$0x3], $0x80, s30, s19, $0xb8;
	[tilespmem:$0x1F6F8] =	vst v63  }
0x79: {  	_ =	swait.ge [sflag:s16], $0x2000  }
0x7a: {  	[sflag:s16] =	ssyncset.done $0x0  }
0x7b: {  	[sflag:s16] =	ssyncadd.s32 $0xFFFFE000  }
0x7c: {  	[spmem:s3] =	stream.indirect.scatter.add.f32 [tilespmem:s15], [sflag:$0x3], $0x1, s30, s19, $0xb8;
	[tilespmem:$0x1F6F8] =	vst v63  }
0x7d: {  	_ =	swait.ge [sflag:s16], $0x40  }
0x7e: {  	[sflag:s16] =	ssyncset.done $0x0  }
0x7f: {  	[sflag:s16] =	ssyncadd.s32 $0xFFFFFFC0  }
0x80: {  	[tilespmem:s20], [sflag:$0x1] =	stream.indirect.gather [hbm4b:s0+s19], $0x80, s29, s19, $0xb8;
	[tilespmem:$0x1F6F8] =	vst v63  }
0x81: {  	_ =	swait.ge [sflag:s24], $0x2000  }
0x82: {  	[sflag:s24] =	ssyncset.done $0x0  }
0x83: {  	[sflag:s24] =	ssyncadd.s32 $0xFFFFE000  }
0x84: {  	[spmem:s2] =	stream.indirect.scatter.add.f32 [tilespmem:s22], [sflag:$0x3], $0x80, s31, s19, $0xb8;
	[tilespmem:$0x1F6F8] =	vst v63  }
0x85: {  	_ =	swait.ge [sflag:s16], $0x2000  }
0x86: {  	[sflag:s16] =	ssyncset.done $0x0  }
0x87: {  	[sflag:s16] =	ssyncadd.s32 $0xFFFFE000  }
0x88: {  	[spmem:s3] =	stream.indirect.scatter.add.f32 [tilespmem:s15], [sflag:$0x3], $0x1, s31, s19, $0xb8;
	[tilespmem:$0x1F6F8] =	vst v63  }
0x89: {  	_ =	swait.ge [sflag:s16], $0x40  }
0x8a: {  	[sflag:s16] =	ssyncset.done $0x0  }
0x8b: {  	[sflag:s16] =	ssyncadd.s32 $0xFFFFFFC0  }
0x8c: {  	[tilespmem:s22], [sflag:$0x2] =	stream.indirect.gather [hbm4b:s0+s19], $0x80, s29, s19, $0xb8;
	[tilespmem:$0x1F6F8] =	vst v63  }
0x8d: {  	_ =	swait.ge [sflag:s23], $0x2000  }
0x8e: {  	[sflag:s23] =	ssyncset.done $0x0  }
0x8f: {  	[sflag:s23] =	ssyncadd.s32 $0xFFFFE000  }
0x90: {  	_ =	swait.ge [sflag:s24], $0x2000  }
0x91: {  	[sflag:s24] =	ssyncset.done $0x0  }
0x92: {  	[sflag:s24] =	ssyncadd.s32 $0xFFFFE000  }
0x93: {  	s6 =	simm.s32 @!p0 $0x3;
	s5 =	simm.s32 @!p0 $0x1C03;
	[bflag:$0x0] =	sbarrier.arrive $0xFFFF  }
0x94: {  	[hbm:s10], [sflag:s5] =	dma.local @!p0 [spmem:s13], $0x27800  }
0x95: {  	s1 =	sadd.s32 $0x1, s1;
	_ =	swait.ge @!p0 [sflag:s6], $0x27800  }
0x96: {  	p1 =	sne.s32 s1, s12;
	[sflag:s6] =	ssyncset.done @!p0 $0x0  }
.Ltmp1:
0x97: {  	[sflag:s6] =	ssyncadd.s32 @!p0 $0xFFFD8800;
	(pc) =	sbr.rel @p1 .LBB2_1-.Ltmp1, $4  }
0x98: {  	[hbm:s11], [sflag:s5] =	dma.local @!p0 [spmem:s14], $0x4F0  }
0x99: {  	_ =	swait.ge @!p0 [sflag:s6], $0x4F0  }
0x9a: {  	[sflag:s6] =	ssyncset.done @!p0 $0x0  }
0x9b: {  	[sflag:s6] =	ssyncadd.s32 @!p0 $0xFFFFFB10  }
0x9c: {  	_ =	sfence.sel $0x180000  }
0x9d: {  	[bflag:$0x0] =	sbarrier.arrive $0xFFFF  }
0x9e: {  	_ =	strace $0x90000047  }
0x9f: {  	[bflag:$0x2] =	sbarrier.arrive $0xFFFF  }
0xa0: {  	s0 =	rddreg [dreg:$0x4]  }
0xa1: {  	s0 =	sadd.s32 @!p0 $0x100000, s0  }
0xa2: {  	[sflag:s0] =	ssyncadd.tile.s32 @!p0 $0x1;
	_ =	shalt  }
.Lfunc_end2:
_tile_overlayer_lowered:
.L_overlay_start_2:
0xa3: {  	(tag) =	ssettag $0x2  }
0xa4: {  	s0 =	rddreg [dreg:$0x0];
	s2 =	stileid.u32  }
0xa5: {  	s1 =	rddreg [dreg:$0x1];
	p0 =	sne.s32 s2, $0x0  }
0xa6: {  	s3 =	rddreg [dreg:$0x2];
	[bflag:$0x3] =	sbarrier.arrive $0xFFFF;
	s2 =	simm.s32 @!p0 $0x1C03  }
0xa7: {  	[timem:s3], [sflag:s2] =	dma.local @!p0 [hbm:s0], s1  }
0xa8: {  	s0 =	simm.s32 @!p0 $0x3  }
0xa9: {  	_ =	swait.ge @!p0 [sflag:s0], s1  }
0xaa: {  	s1 =	ssub.s32 @!p0 $0x0, s1;
	[sflag:s0] =	ssyncset.done @!p0 $0x0  }
0xab: {  	[sflag:s0] =	ssyncadd.s32 @!p0 s1  }
0xac: {  	[bflag:$0x3] =	sbarrier.arrive $0xFFFF  }
0xad: {  	_ =	shalt  }

</sc_bundles>
